<compile_context>
chip_gen: v7x
topology: tpu7x:2x2x1
jax: 0.10.2.dev20260603
libtpu: 0.0.44.dev20260713+nightly
codegen_flags: <defaults>
</compile_context>

<pallas_src>
import functools

import jax
import jax.numpy as jnp
from jax import lax
from jax.experimental import pallas as pl
from jax.experimental.pallas import tpu as pltpu
from jax.experimental.pallas import tpu_sc as plsc

D = 32
NE = 8192
NTOK = 16384
TBLK = 1024
CCHUNK = 2048
EPSV = 1e-05


def _argmin_body(x_ref, e_ref, xn_ref, ind_ref):
    xs = x_ref[0]
    nrm = jnp.sqrt(jnp.sum(xs * xs, axis=1, keepdims=True))
    xn = xs / jnp.maximum(nrm, 1e-12)
    xn_ref[0] = xn
    rows_sq = jnp.sum(xn * xn, axis=1, keepdims=True)

    iota = lax.broadcasted_iota(jnp.int32, (TBLK, CCHUNK), 1)

    def chunk_min(c):
        ec = e_ref[:, pl.ds(c * CCHUNK, CCHUNK)]
        esq = jnp.sum(ec * ec, axis=0, keepdims=True)
        mm = lax.dot_general(xn.astype(jnp.bfloat16), ec.astype(jnp.bfloat16),
                             (((1,), (0,)), ((), ())),
                             preferred_element_type=jnp.float32)
        dist = (rows_sq - 2.0 * mm) + esq
        m = jnp.min(dist, axis=1, keepdims=True)
        idx = jnp.min(jnp.where(dist == m, iota, CCHUNK), axis=1,
                      keepdims=True) + c * CCHUNK
        return m, idx

    halves = []
    for h in range(2):
        hv, hi = chunk_min(2 * h)
        m, idx = chunk_min(2 * h + 1)
        upd = m < hv
        hv = jnp.where(upd, m, hv)
        hi = jnp.where(upd, idx, hi)
        halves.append((hv, hi))
    (v1, i1), (v2, i2) = halves
    v1b = v1.astype(jnp.bfloat16).astype(jnp.float32)
    take2 = v2 < v1b
    ind_ref[0] = jnp.where(take2, i2, i1)


def _run_argmin(x, embed):
    nblk = NTOK // TBLK
    return pl.pallas_call(
        _argmin_body,
        grid=(nblk,),
        in_specs=[
            pl.BlockSpec((1, TBLK, D), lambda i: (i, 0, 0)),
            pl.BlockSpec((D, NE), lambda i: (0, 0)),
        ],
        out_specs=[
            pl.BlockSpec((1, TBLK, D), lambda i: (i, 0, 0)),
            pl.BlockSpec((1, TBLK, 1), lambda i: (i, 0, 0)),
        ],
        out_shape=[
            jax.ShapeDtypeStruct((nblk, TBLK, D), jnp.float32),
            jax.ShapeDtypeStruct((nblk, TBLK, 1), jnp.int32),
        ],
    )(x.reshape(nblk, TBLK, D), embed)


def _sc_body(et_hbm, ind_hbm, q_hbm, hist_hbm, idx_v, rows_v, hist_v, sem):
    nw = 32
    bpw = NTOK // nw
    wid = lax.axis_index("s") * 2 + lax.axis_index("c")
    base = wid * bpw
    pltpu.sync_copy(ind_hbm.at[pl.ds(base, bpw)], idx_v)
    for j in range(bpw // 128):
        pltpu.async_copy(et_hbm.at[idx_v.at[pl.ds(j * 128, 128)]],
                         rows_v.at[pl.ds(j * 128, 128)], sem).wait()
    pltpu.sync_copy(rows_v, q_hbm.at[pl.ds(base, bpw)])

    def zero(i, _):
        hist_v[pl.ds(i * 16, 16)] = jnp.zeros((16,), jnp.float32)
        return 0
    lax.fori_loop(0, NE // 16, zero, 0)

    ones = jnp.full((16,), 1.0, jnp.float32)

    def acc(i, _):
        idx16 = idx_v[pl.ds(i * 16, 16)]
        plsc.addupdate_scatter(hist_v, [idx16], ones)
        return 0
    lax.fori_loop(0, bpw // 16, acc, 0)
    pltpu.sync_copy(hist_v, hist_hbm.at[wid])


def _run_sc(embed_t, ind_flat):
    nw = 32
    bpw = NTOK // nw
    mesh = plsc.VectorSubcoreMesh(core_axis_name="c", subcore_axis_name="s")
    f = functools.partial(
        pl.kernel, mesh=mesh,
        compiler_params=pltpu.CompilerParams(needs_layout_passes=False,
                                             use_tc_tiling_on_sc=False),
        out_type=[
            jax.ShapeDtypeStruct((NTOK, D), jnp.float32),
            jax.ShapeDtypeStruct((nw, NE), jnp.float32),
        ],
        scratch_types=[
            pltpu.VMEM((bpw,), jnp.int32),
            pltpu.VMEM((bpw, D), jnp.float32),
            pltpu.VMEM((NE,), jnp.float32),
            pltpu.SemaphoreType.DMA,
        ],
    )(_sc_body)
    return f(embed_t, ind_flat)


def _epi_body(xn_ref, q_ref, h_ref, qst_ref, diff_ref, prob_ref, perp_ref):
    xn = xn_ref[...]
    q = q_ref[...]
    d = q - xn
    qst_ref[...] = xn + d
    diff_ref[...] = jnp.reshape(jnp.mean(jnp.abs(d)), (1, 1))
    counts = jnp.sum(h_ref[...], axis=0, keepdims=True)
    prob = counts / (jnp.sum(counts) + EPSV)
    prob_ref[...] = prob
    plogp = prob * jnp.log(jnp.maximum(prob, EPSV))
    perp_ref[...] = jnp.reshape(jnp.exp(-jnp.sum(plogp)), (1, 1))


def _run_epi(xn_flat, q_flat, part_hist):
    return pl.pallas_call(
        _epi_body,
        out_shape=[
            jax.ShapeDtypeStruct((NTOK, D), jnp.float32),
            jax.ShapeDtypeStruct((1, 1), jnp.float32),
            jax.ShapeDtypeStruct((1, NE), jnp.float32),
            jax.ShapeDtypeStruct((1, 1), jnp.float32),
        ],
    )(xn_flat, q_flat, part_hist)


def kernel(x, embed):
    b, t, d = x.shape
    xn3, ind3 = _run_argmin(x, embed)
    ind_flat = ind3.reshape(NTOK)
    quant, part_hist = _run_sc(embed.T, ind_flat)
    qst, diff, prob, perp = _run_epi(xn3.reshape(NTOK, D), quant, part_hist)
    return (qst.reshape(b, t, d), diff[0, 0], ind3.reshape(b, t),
            prob.reshape(NE), perp[0, 0])

# --- scband reference (transcript-rebuilt; emitter-appended) ---
"""Pipeline reference for scband-quantize-833223656390 (READ-ONLY COPY).

The authoritative reference and input builder live on the scoring server;
editing this copy changes nothing except your own understanding.
"""

import jax, jax.numpy as jnp
import numpy as np

DIM = 32
N_EMBED = 8192
EPS = 1e-05


def setup_inputs(seed: int = 0) -> dict:
    key = jax.random.key(seed)
    k1, k2 = jax.random.split(key)
    x = jax.random.normal(k1, (16, 1024, DIM), dtype=jnp.float32)
    embed = jax.random.normal(k2, (DIM, N_EMBED), dtype=jnp.float32)
    # normalize=True: codebook is L2-normalized along dim 0 at init
    embed = embed / jnp.clip(jnp.linalg.norm(embed, ord=2, axis=0, keepdims=True), 1e-12)
    return {"x": x, "embed": embed}


def reference(x, embed):
    # F.normalize(x, p=2, dim=-1)
    xn = x / jnp.clip(jnp.linalg.norm(x, ord=2, axis=-1, keepdims=True), 1e-12)
    flatten = xn.reshape(-1, DIM)
    # squared-distance to every code: ||f||^2 - 2 f.E + ||e||^2
    dist = (jnp.sum(flatten ** 2, axis=1, keepdims=True)
            - 2.0 * (flatten @ embed)
            + jnp.sum(embed ** 2, axis=0, keepdims=True))
    embed_ind_flat = jnp.argmax(-dist, axis=1)
    embed_ind = embed_ind_flat.reshape(xn.shape[:-1])
    # embed_code: gather rows of embed.T
    quantize = jnp.take(embed.T, embed_ind, axis=0)
    # one-hot sum == bincount over code indices (eval mode: no EMA update)
    embed_onehot_sum = jnp.bincount(embed_ind_flat, length=N_EMBED).astype(flatten.dtype)
    prob = embed_onehot_sum / (embed_onehot_sum.sum() + EPS)
    perplexity = jnp.exp(-jnp.sum(prob * jnp.log(jnp.clip(prob, EPS, None))))
    diff = jnp.mean(jnp.abs(jax.lax.stop_gradient(quantize) - xn))
    # straight-through estimator
    quantize_st = xn + jax.lax.stop_gradient(quantize - xn)
    return (quantize_st, diff, embed_ind, prob, perplexity)

if __name__ == "__main__":
    import jax
    _d = setup_inputs()
    print(jax.jit(kernel)(*tuple(_d.values())))

</pallas_src>

<mosaic_0001>
#map = affine_map<(d0, d1) -> (0, 0)>
#map1 = affine_map<(d0, d1) -> (0)>
module attributes {stable_mosaic.version = 14 : i64} {
  func.func @_sc_body(%arg0: i32, %arg1: i32, %arg2: memref<8192x32xf32, #tpu.memory_space<hbm>>, %arg3: memref<16384xi32, #tpu.memory_space<hbm>>, %arg4: memref<16384x32xf32, #tpu.memory_space<hbm>>, %arg5: memref<32x8192xf32, #tpu.memory_space<hbm>>, %arg6: memref<512xi32, #tpu.memory_space<vmem>>, %arg7: memref<512x32xf32, #tpu.memory_space<vmem>>, %arg8: memref<8192xf32, #tpu.memory_space<vmem>>, %arg9: memref<!tpu.dma_semaphore, #tpu.memory_space<semaphore_mem>>) attributes {dimension_semantics = [#tpu.dimension_semantics<core_parallel>, #tpu.dimension_semantics<subcore_parallel>], iteration_bounds = array<i64: 2, 16>, scalar_prefetch = 0 : i64, scratch_operands = 4 : i64, tpu.core_type = #tpu.core_type<sc_vector_subcore>, window_params = [{transform_indices = #map}, {transform_indices = #map1}, {transform_indices = #map}, {transform_indices = #map}]} {
    %mul3A = arith.constant 2 : i32
    %mul3A_0 = arith.muli %arg1, %mul3A : i32
    %add3A = arith.addi %mul3A_0, %arg0 : i32
    %mul3A_1 = arith.constant 512 : i32
    %mul3A_2 = arith.muli %add3A, %mul3A_1 : i32
    "tpu.region"() ({
      %run_scoped3A = tpu.sem_alloc : memref<!tpu.dma_semaphore, #tpu.memory_space<semaphore_mem>>
      %dma_start3A_79 = tpu.memref_slice %arg3[%mul3A_2] : memref<16384xi32, #tpu.memory_space<hbm>> -> memref<512xi32, #tpu.memory_space<hbm>>
      %dma_start3A_80 = tpu.memref_slice %arg3[%mul3A_2] : memref<16384xi32, #tpu.memory_space<hbm>> -> memref<512xi32, #tpu.memory_space<hbm>>
      tpu.enqueue_dma source(%dma_start3A_80 : memref<512xi32, #tpu.memory_space<hbm>>) target(%arg6 : memref<512xi32, #tpu.memory_space<vmem>>) target_semaphore(%run_scoped3A : memref<!tpu.dma_semaphore, #tpu.memory_space<semaphore_mem>>)
      %dma_wait3A_81 = tpu.memref_slice %arg3[%mul3A_2] : memref<16384xi32, #tpu.memory_space<hbm>> -> memref<512xi32, #tpu.memory_space<hbm>>
      %dma_wait3A_82 = tpu.memref_slice %arg3[%mul3A_2] : memref<16384xi32, #tpu.memory_space<hbm>> -> memref<512xi32, #tpu.memory_space<hbm>>
      tpu.wait_dma2 semaphore(%run_scoped3A : memref<!tpu.dma_semaphore, #tpu.memory_space<semaphore_mem>>) src(%dma_wait3A_82 : memref<512xi32, #tpu.memory_space<hbm>>) dst(%arg6 : memref<512xi32, #tpu.memory_space<vmem>>)
      tpu.yield
    }) : () -> ()
    %dma_start3A = arith.constant 0 : i32
    %dma_start3A_3 = arith.constant 0 : i32
    %dma_start3A_4 = tpu.memref_slice %arg7[%dma_start3A, %dma_start3A_3] : memref<512x32xf32, #tpu.memory_space<vmem>> -> memref<128x32xf32, #tpu.memory_space<vmem>>
    %dma_start3A_5 = arith.constant 0 : i32
    %dma_start3A_6 = tpu.memref_slice %arg6[%dma_start3A_5] : memref<512xi32, #tpu.memory_space<vmem>> -> memref<128xi32, #tpu.memory_space<vmem>>
    %dma_start3A_7 = arith.constant 0 : i32
    %dma_start3A_8 = arith.constant 0 : i32
    %dma_start3A_9 = tpu.memref_slice %arg2[%dma_start3A_7, %dma_start3A_8] : memref<8192x32xf32, #tpu.memory_space<hbm>> -> memref<8192x32xf32, #tpu.memory_space<hbm>>
    tpu.enqueue_indirect_dma source(%dma_start3A_9 : memref<8192x32xf32, #tpu.memory_space<hbm>>) target(%dma_start3A_4 : memref<128x32xf32, #tpu.memory_space<vmem>>) offsets(%dma_start3A_6 : memref<128xi32, #tpu.memory_space<vmem>>) semaphore(%arg9 : memref<!tpu.dma_semaphore, #tpu.memory_space<semaphore_mem>>)
    %dma_wait3A = arith.constant 0 : i32
    %dma_wait3A_10 = arith.constant 0 : i32
    %dma_wait3A_11 = tpu.memref_slice %arg7[%dma_wait3A, %dma_wait3A_10] : memref<512x32xf32, #tpu.memory_space<vmem>> -> memref<128x32xf32, #tpu.memory_space<vmem>>
    %dma_wait3A_12 = arith.constant 0 : i32
    %dma_wait3A_13 = tpu.memref_slice %arg6[%dma_wait3A_12] : memref<512xi32, #tpu.memory_space<vmem>> -> memref<128xi32, #tpu.memory_space<vmem>>
    %dma_wait3A_14 = arith.constant 0 : i32
    %dma_wait3A_15 = arith.constant 0 : i32
    %dma_wait3A_16 = tpu.memref_slice %arg2[%dma_wait3A_14, %dma_wait3A_15] : memref<8192x32xf32, #tpu.memory_space<hbm>> -> memref<8192x32xf32, #tpu.memory_space<hbm>>
    tpu.wait_indirect_dma semaphore(%arg9 : memref<!tpu.dma_semaphore, #tpu.memory_space<semaphore_mem>>) src(%dma_wait3A_16 : memref<8192x32xf32, #tpu.memory_space<hbm>>) dst(%dma_wait3A_11 : memref<128x32xf32, #tpu.memory_space<vmem>>)
    %dma_start3A_17 = arith.constant 128 : i32
    %dma_start3A_18 = arith.constant 0 : i32
    %dma_start3A_19 = tpu.memref_slice %arg7[%dma_start3A_17, %dma_start3A_18] : memref<512x32xf32, #tpu.memory_space<vmem>> -> memref<128x32xf32, #tpu.memory_space<vmem>>
    %dma_start3A_20 = arith.constant 128 : i32
    %dma_start3A_21 = tpu.memref_slice %arg6[%dma_start3A_20] : memref<512xi32, #tpu.memory_space<vmem>> -> memref<128xi32, #tpu.memory_space<vmem>>
    %dma_start3A_22 = arith.constant 0 : i32
    %dma_start3A_23 = arith.constant 0 : i32
    %dma_start3A_24 = tpu.memref_slice %arg2[%dma_start3A_22, %dma_start3A_23] : memref<8192x32xf32, #tpu.memory_space<hbm>> -> memref<8192x32xf32, #tpu.memory_space<hbm>>
    tpu.enqueue_indirect_dma source(%dma_start3A_24 : memref<8192x32xf32, #tpu.memory_space<hbm>>) target(%dma_start3A_19 : memref<128x32xf32, #tpu.memory_space<vmem>>) offsets(%dma_start3A_21 : memref<128xi32, #tpu.memory_space<vmem>>) semaphore(%arg9 : memref<!tpu.dma_semaphore, #tpu.memory_space<semaphore_mem>>)
    %dma_wait3A_25 = arith.constant 128 : i32
    %dma_wait3A_26 = arith.constant 0 : i32
    %dma_wait3A_27 = tpu.memref_slice %arg7[%dma_wait3A_25, %dma_wait3A_26] : memref<512x32xf32, #tpu.memory_space<vmem>> -> memref<128x32xf32, #tpu.memory_space<vmem>>
    %dma_wait3A_28 = arith.constant 128 : i32
    %dma_wait3A_29 = tpu.memref_slice %arg6[%dma_wait3A_28] : memref<512xi32, #tpu.memory_space<vmem>> -> memref<128xi32, #tpu.memory_space<vmem>>
    %dma_wait3A_30 = arith.constant 0 : i32
    %dma_wait3A_31 = arith.constant 0 : i32
    %dma_wait3A_32 = tpu.memref_slice %arg2[%dma_wait3A_30, %dma_wait3A_31] : memref<8192x32xf32, #tpu.memory_space<hbm>> -> memref<8192x32xf32, #tpu.memory_space<hbm>>
    tpu.wait_indirect_dma semaphore(%arg9 : memref<!tpu.dma_semaphore, #tpu.memory_space<semaphore_mem>>) src(%dma_wait3A_32 : memref<8192x32xf32, #tpu.memory_space<hbm>>) dst(%dma_wait3A_27 : memref<128x32xf32, #tpu.memory_space<vmem>>)
    %dma_start3A_33 = arith.constant 256 : i32
    %dma_start3A_34 = arith.constant 0 : i32
    %dma_start3A_35 = tpu.memref_slice %arg7[%dma_start3A_33, %dma_start3A_34] : memref<512x32xf32, #tpu.memory_space<vmem>> -> memref<128x32xf32, #tpu.memory_space<vmem>>
    %dma_start3A_36 = arith.constant 256 : i32
    %dma_start3A_37 = tpu.memref_slice %arg6[%dma_start3A_36] : memref<512xi32, #tpu.memory_space<vmem>> -> memref<128xi32, #tpu.memory_space<vmem>>
    %dma_start3A_38 = arith.constant 0 : i32
    %dma_start3A_39 = arith.constant 0 : i32
    %dma_start3A_40 = tpu.memref_slice %arg2[%dma_start3A_38, %dma_start3A_39] : memref<8192x32xf32, #tpu.memory_space<hbm>> -> memref<8192x32xf32, #tpu.memory_space<hbm>>
    tpu.enqueue_indirect_dma source(%dma_start3A_40 : memref<8192x32xf32, #tpu.memory_space<hbm>>) target(%dma_start3A_35 : memref<128x32xf32, #tpu.memory_space<vmem>>) offsets(%dma_start3A_37 : memref<128xi32, #tpu.memory_space<vmem>>) semaphore(%arg9 : memref<!tpu.dma_semaphore, #tpu.memory_space<semaphore_mem>>)
    %dma_wait3A_41 = arith.constant 256 : i32
    %dma_wait3A_42 = arith.constant 0 : i32
    %dma_wait3A_43 = tpu.memref_slice %arg7[%dma_wait3A_41, %dma_wait3A_42] : memref<512x32xf32, #tpu.memory_space<vmem>> -> memref<128x32xf32, #tpu.memory_space<vmem>>
    %dma_wait3A_44 = arith.constant 256 : i32
    %dma_wait3A_45 = tpu.memref_slice %arg6[%dma_wait3A_44] : memref<512xi32, #tpu.memory_space<vmem>> -> memref<128xi32, #tpu.memory_space<vmem>>
    %dma_wait3A_46 = arith.constant 0 : i32
    %dma_wait3A_47 = arith.constant 0 : i32
    %dma_wait3A_48 = tpu.memref_slice %arg2[%dma_wait3A_46, %dma_wait3A_47] : memref<8192x32xf32, #tpu.memory_space<hbm>> -> memref<8192x32xf32, #tpu.memory_space<hbm>>
    tpu.wait_indirect_dma semaphore(%arg9 : memref<!tpu.dma_semaphore, #tpu.memory_space<semaphore_mem>>) src(%dma_wait3A_48 : memref<8192x32xf32, #tpu.memory_space<hbm>>) dst(%dma_wait3A_43 : memref<128x32xf32, #tpu.memory_space<vmem>>)
    %dma_start3A_49 = arith.constant 384 : i32
    %dma_start3A_50 = arith.constant 0 : i32
    %dma_start3A_51 = tpu.memref_slice %arg7[%dma_start3A_49, %dma_start3A_50] : memref<512x32xf32, #tpu.memory_space<vmem>> -> memref<128x32xf32, #tpu.memory_space<vmem>>
    %dma_start3A_52 = arith.constant 384 : i32
    %dma_start3A_53 = tpu.memref_slice %arg6[%dma_start3A_52] : memref<512xi32, #tpu.memory_space<vmem>> -> memref<128xi32, #tpu.memory_space<vmem>>
    %dma_start3A_54 = arith.constant 0 : i32
    %dma_start3A_55 = arith.constant 0 : i32
    %dma_start3A_56 = tpu.memref_slice %arg2[%dma_start3A_54, %dma_start3A_55] : memref<8192x32xf32, #tpu.memory_space<hbm>> -> memref<8192x32xf32, #tpu.memory_space<hbm>>
    tpu.enqueue_indirect_dma source(%dma_start3A_56 : memref<8192x32xf32, #tpu.memory_space<hbm>>) target(%dma_start3A_51 : memref<128x32xf32, #tpu.memory_space<vmem>>) offsets(%dma_start3A_53 : memref<128xi32, #tpu.memory_space<vmem>>) semaphore(%arg9 : memref<!tpu.dma_semaphore, #tpu.memory_space<semaphore_mem>>)
    %dma_wait3A_57 = arith.constant 384 : i32
    %dma_wait3A_58 = arith.constant 0 : i32
    %dma_wait3A_59 = tpu.memref_slice %arg7[%dma_wait3A_57, %dma_wait3A_58] : memref<512x32xf32, #tpu.memory_space<vmem>> -> memref<128x32xf32, #tpu.memory_space<vmem>>
    %dma_wait3A_60 = arith.constant 384 : i32
    %dma_wait3A_61 = tpu.memref_slice %arg6[%dma_wait3A_60] : memref<512xi32, #tpu.memory_space<vmem>> -> memref<128xi32, #tpu.memory_space<vmem>>
    %dma_wait3A_62 = arith.constant 0 : i32
    %dma_wait3A_63 = arith.constant 0 : i32
    %dma_wait3A_64 = tpu.memref_slice %arg2[%dma_wait3A_62, %dma_wait3A_63] : memref<8192x32xf32, #tpu.memory_space<hbm>> -> memref<8192x32xf32, #tpu.memory_space<hbm>>
    tpu.wait_indirect_dma semaphore(%arg9 : memref<!tpu.dma_semaphore, #tpu.memory_space<semaphore_mem>>) src(%dma_wait3A_64 : memref<8192x32xf32, #tpu.memory_space<hbm>>) dst(%dma_wait3A_59 : memref<128x32xf32, #tpu.memory_space<vmem>>)
    "tpu.region"() ({
      %run_scoped3A = tpu.sem_alloc : memref<!tpu.dma_semaphore, #tpu.memory_space<semaphore_mem>>
      %dma_start3A_79 = arith.constant 0 : i32
      %dma_start3A_80 = tpu.memref_slice %arg4[%mul3A_2, %dma_start3A_79] : memref<16384x32xf32, #tpu.memory_space<hbm>> -> memref<512x32xf32, #tpu.memory_space<hbm>>
      %dma_start3A_81 = arith.constant 0 : i32
      %dma_start3A_82 = tpu.memref_slice %arg4[%mul3A_2, %dma_start3A_81] : memref<16384x32xf32, #tpu.memory_space<hbm>> -> memref<512x32xf32, #tpu.memory_space<hbm>>
      tpu.enqueue_dma source(%arg7 : memref<512x32xf32, #tpu.memory_space<vmem>>) target(%dma_start3A_82 : memref<512x32xf32, #tpu.memory_space<hbm>>) target_semaphore(%run_scoped3A : memref<!tpu.dma_semaphore, #tpu.memory_space<semaphore_mem>>)
      %dma_wait3A_83 = arith.constant 0 : i32
      %dma_wait3A_84 = tpu.memref_slice %arg4[%mul3A_2, %dma_wait3A_83] : memref<16384x32xf32, #tpu.memory_space<hbm>> -> memref<512x32xf32, #tpu.memory_space<hbm>>
      %dma_wait3A_85 = arith.constant 0 : i32
      %dma_wait3A_86 = tpu.memref_slice %arg4[%mul3A_2, %dma_wait3A_85] : memref<16384x32xf32, #tpu.memory_space<hbm>> -> memref<512x32xf32, #tpu.memory_space<hbm>>
      tpu.wait_dma2 semaphore(%run_scoped3A : memref<!tpu.dma_semaphore, #tpu.memory_space<semaphore_mem>>) src(%arg7 : memref<512x32xf32, #tpu.memory_space<vmem>>) dst(%dma_wait3A_86 : memref<512x32xf32, #tpu.memory_space<hbm>>)
      tpu.yield
    }) : () -> ()
    %scan3A = arith.constant 0 : i32
    %scan3A_65 = arith.constant 0 : i32
    %scan3A_66 = arith.constant 512 : i32
    %scan3A_67 = arith.addi %scan3A_65, %scan3A_66 : i32
    %scan3A_68 = arith.constant 1 : i32
    %scan3A_69 = scf.for %scan3A_79 = %scan3A_65 to %scan3A_67 step %scan3A_68 iter_args(%scan3A_80 = %scan3A) -> (i32)  : i32 {
      %broadcast_in_dim3A_81 = arith.constant 0.000000e+00 : f32
      %broadcast_in_dim3A_82 = vector.broadcast %broadcast_in_dim3A_81 : f32 to vector<16xf32>
      %mul3A_83 = arith.constant 16 : i32
      %mul3A_84 = arith.muli %scan3A_79, %mul3A_83 : i32
      %swap3A = arith.index_cast %mul3A_84 : i32 to index
      %swap3A_85 = tpu.vector_load %arg8[%swap3A] {strides = array<i32>} : memref<8192xf32, #tpu.memory_space<vmem>>, vector<16xf32>,
      tpu.vector_store %arg8[%swap3A], %broadcast_in_dim3A_82 {strides = array<i32>} : memref<8192xf32, #tpu.memory_space<vmem>>, vector<16xf32>,
      %scan3A_86 = arith.constant 0 : i32
      scf.yield %scan3A_86 : i32
    }
    %scan3A_70 = arith.constant 512 : i32
    %broadcast_in_dim3A = arith.constant 1.000000e+00 : f32
    %broadcast_in_dim3A_71 = vector.broadcast %broadcast_in_dim3A : f32 to vector<16xf32>
    %scan3A_72 = arith.constant 0 : i32
    %scan3A_73 = arith.constant 0 : i32
    %scan3A_74 = arith.constant 32 : i32
    %scan3A_75 = arith.addi %scan3A_73, %scan3A_74 : i32
    %scan3A_76 = arith.constant 1 : i32
    %scan3A_77 = scf.for %scan3A_79 = %scan3A_73 to %scan3A_75 step %scan3A_76 iter_args(%scan3A_80 = %scan3A_72) -> (i32)  : i32 {
      %mul3A_81 = arith.constant 16 : i32
      %mul3A_82 = arith.muli %scan3A_79, %mul3A_81 : i32
      %get3A = arith.index_cast %mul3A_82 : i32 to index
      %get3A_83 = tpu.vector_load %arg6[%get3A] {strides = array<i32>} : memref<512xi32, #tpu.memory_space<vmem>>, vector<16xi32>,
      tpu.vector_store_idx %arg8[%get3A_83], %broadcast_in_dim3A_71 {add = true} : memref<8192xf32, #tpu.memory_space<vmem>>[vector<16xi32>], vector<16xf32>,
      %scan3A_84 = arith.constant 0 : i32
      scf.yield %scan3A_84 : i32
    }
    %scan3A_78 = arith.constant 32 : i32
    "tpu.region"() ({
      %run_scoped3A = tpu.sem_alloc : memref<!tpu.dma_semaphore, #tpu.memory_space<semaphore_mem>>
      %dma_start3A_79 = arith.constant 0 : i32
      %dma_start3A_80 = tpu.memref_slice %arg5[%add3A, %dma_start3A_79] : memref<32x8192xf32, #tpu.memory_space<hbm>> -> memref<1x8192xf32, #tpu.memory_space<hbm>>
      %dma_start3A_81 = tpu.memref_squeeze %dma_start3A_80 : memref<1x8192xf32, #tpu.memory_space<hbm>> -> memref<8192xf32, #tpu.memory_space<hbm>>
      %dma_start3A_82 = arith.constant 0 : i32
      %dma_start3A_83 = tpu.memref_slice %arg5[%add3A, %dma_start3A_82] : memref<32x8192xf32, #tpu.memory_space<hbm>> -> memref<1x8192xf32, #tpu.memory_space<hbm>>
      %dma_start3A_84 = tpu.memref_squeeze %dma_start3A_83 : memref<1x8192xf32, #tpu.memory_space<hbm>> -> memref<8192xf32, #tpu.memory_space<hbm>>
      tpu.enqueue_dma source(%arg8 : memref<8192xf32, #tpu.memory_space<vmem>>) target(%dma_start3A_84 : memref<8192xf32, #tpu.memory_space<hbm>>) target_semaphore(%run_scoped3A : memref<!tpu.dma_semaphore, #tpu.memory_space<semaphore_mem>>)
      %dma_wait3A_85 = arith.constant 0 : i32
      %dma_wait3A_86 = tpu.memref_slice %arg5[%add3A, %dma_wait3A_85] : memref<32x8192xf32, #tpu.memory_space<hbm>> -> memref<1x8192xf32, #tpu.memory_space<hbm>>
      %dma_wait3A_87 = tpu.memref_squeeze %dma_wait3A_86 : memref<1x8192xf32, #tpu.memory_space<hbm>> -> memref<8192xf32, #tpu.memory_space<hbm>>
      %dma_wait3A_88 = arith.constant 0 : i32
      %dma_wait3A_89 = tpu.memref_slice %arg5[%add3A, %dma_wait3A_88] : memref<32x8192xf32, #tpu.memory_space<hbm>> -> memref<1x8192xf32, #tpu.memory_space<hbm>>
      %dma_wait3A_90 = tpu.memref_squeeze %dma_wait3A_89 : memref<1x8192xf32, #tpu.memory_space<hbm>> -> memref<8192xf32, #tpu.memory_space<hbm>>
      tpu.wait_dma2 semaphore(%run_scoped3A : memref<!tpu.dma_semaphore, #tpu.memory_space<semaphore_mem>>) src(%arg8 : memref<8192xf32, #tpu.memory_space<vmem>>) dst(%dma_wait3A_90 : memref<8192xf32, #tpu.memory_space<hbm>>)
      tpu.yield
    }) : () -> ()
    return
  }
}

module attributes {stable_mosaic.version = 14 : i64} {
  func.func @_argmin_body(%arg0: i32, %arg1: memref<1x1024x32xf32, #tpu.memory_space<vmem>>, %arg2: memref<32x8192xf32, #tpu.memory_space<vmem>>, %arg3: memref<1x1024x32xf32, #tpu.memory_space<vmem>>, %arg4: memref<1x1024x1xi32, #tpu.memory_space<vmem>>) attributes {dimension_semantics = [#tpu.dimension_semantics<arbitrary>], iteration_bounds = array<i64: 16>, scalar_prefetch = 0 : i64, scratch_operands = 0 : i64, tpu.core_type = #tpu.core_type<tc>, window_params = [{transform_indices = @transform_0, window_bounds = array<i64: 1, 1024, 32>}, {pipeline_mode = #tpu.pipeline_mode<synchronous>, transform_indices = @transform_1, window_bounds = array<i64: 32, 8192>}, {transform_indices = @transform_2, window_bounds = array<i64: 1, 1024, 32>}, {transform_indices = @transform_3, window_bounds = array<i64: 1, 1024, 1>}]} {
    %get3A = arith.constant 0 : index
    %get3A_0 = arith.constant 0 : index
    %get3A_1 = arith.constant 0 : index
    %get3A_2 = vector.load %arg1[%get3A, %get3A_0, %get3A_1] : memref<1x1024x32xf32, #tpu.memory_space<vmem>>, vector<1x1024x32xf32>
    %get3A_3 = vector.shape_cast %get3A_2 : vector<1x1024x32xf32> to vector<1024x32xf32>
    %mul3A = arith.mulf %get3A_3, %get3A_3 : vector<1024x32xf32>
    %reduce_sum3A = arith.constant dense<0.000000e+00> : vector<1024xf32>
    %reduce_sum3A_4 = vector.multi_reduction <add>, %mul3A, %reduce_sum3A [1] : vector<1024x32xf32> to vector<1024xf32>
    %broadcast_in_dim3A = vector.shape_cast %reduce_sum3A_4 : vector<1024xf32> to vector<1024x1xf32>
    %sqrt3A = math.sqrt %broadcast_in_dim3A : vector<1024x1xf32>
    %max3A = arith.constant 9.99999996E-13 : f32
    %max3A_5 = vector.broadcast %max3A : f32 to vector<1024x1xf32>
    %max3A_6 = arith.maximumf %sqrt3A, %max3A_5 : vector<1024x1xf32>
    %div3A = vector.broadcast %max3A_6 : vector<1024x1xf32> to vector<1024x32xf32>
    %div3A_7 = arith.divf %get3A_3, %div3A : vector<1024x32xf32>
    %swap3A = arith.constant 0 : index
    %swap3A_8 = arith.constant 0 : index
    %swap3A_9 = arith.constant 0 : index
    %swap3A_10 = vector.load %arg3[%swap3A, %swap3A_8, %swap3A_9] : memref<1x1024x32xf32, #tpu.memory_space<vmem>>, vector<1x1024x32xf32>
    %swap3A_11 = vector.shape_cast %swap3A_10 : vector<1x1024x32xf32> to vector<1024x32xf32>
    %swap3A_12 = vector.shape_cast %div3A_7 : vector<1024x32xf32> to vector<1x1024x32xf32>
    tpu.vector_store %arg3[%swap3A, %swap3A_8, %swap3A_9], %swap3A_12 {strides = array<i32>} : memref<1x1024x32xf32, #tpu.memory_space<vmem>>, vector<1x1024x32xf32>,
    %mul3A_13 = arith.mulf %div3A_7, %div3A_7 : vector<1024x32xf32>
    %reduce_sum3A_14 = arith.constant dense<0.000000e+00> : vector<1024xf32>
    %reduce_sum3A_15 = vector.multi_reduction <add>, %mul3A_13, %reduce_sum3A_14 [1] : vector<1024x32xf32> to vector<1024xf32>
    %broadcast_in_dim3A_16 = vector.shape_cast %reduce_sum3A_15 : vector<1024xf32> to vector<1024x1xf32>
    %iota3A = tpu.iota {dimensions = array<i32: 1>} : vector<1024x2048xi32>
    %get3A_17 = arith.constant 0 : index
    %get3A_18 = arith.constant 0 : index
    %get3A_19 = vector.load %arg2[%get3A_17, %get3A_18] : memref<32x8192xf32, #tpu.memory_space<vmem>>, vector<32x2048xf32>
    %mul3A_20 = arith.mulf %get3A_19, %get3A_19 : vector<32x2048xf32>
    %reduce_sum3A_21 = arith.constant dense<0.000000e+00> : vector<2048xf32>
    %reduce_sum3A_22 = vector.multi_reduction <add>, %mul3A_20, %reduce_sum3A_21 [0] : vector<32x2048xf32> to vector<2048xf32>
    %broadcast_in_dim3A_23 = vector.shape_cast %reduce_sum3A_22 : vector<2048xf32> to vector<1x2048xf32>
    %convert_element_type3A = arith.truncf %div3A_7 : vector<1024x32xf32> to vector<1024x32xbf16>
    %convert_element_type3A_24 = arith.truncf %get3A_19 : vector<32x2048xf32> to vector<32x2048xbf16>
    %dot_general3A = arith.constant dense<0.000000e+00> : vector<1024x2048xf32>
    %dot_general3A_25 = tpu.matmul %convert_element_type3A, %convert_element_type3A_24, %dot_general3A {dimension_numbers = #tpu.dot_dimension_numbers<[1], [0], [0], [1], [0, 0, 1, 1], [], []>, transpose_lhs_hint = false} : vector<1024x32xbf16>, vector<32x2048xbf16>, vector<1024x2048xf32> -> vector<1024x2048xf32>
    %mul3A_26 = arith.constant 2.000000e+00 : f32
    %mul3A_27 = vector.broadcast %mul3A_26 : f32 to vector<1024x2048xf32>
    %mul3A_28 = arith.mulf %mul3A_27, %dot_general3A_25 : vector<1024x2048xf32>
    %sub3A = vector.broadcast %broadcast_in_dim3A_16 : vector<1024x1xf32> to vector<1024x2048xf32>
    %sub3A_29 = arith.subf %sub3A, %mul3A_28 : vector<1024x2048xf32>
    %add3A = vector.broadcast %broadcast_in_dim3A_23 : vector<1x2048xf32> to vector<1024x2048xf32>
    %add3A_30 = arith.addf %sub3A_29, %add3A : vector<1024x2048xf32>
    %reduce_min3A = arith.constant dense<0x7F800000> : vector<1024xf32>
    %reduce_min3A_31 = vector.multi_reduction <minimumf>, %add3A_30, %reduce_min3A [1] : vector<1024x2048xf32> to vector<1024xf32>
    %broadcast_in_dim3A_32 = vector.shape_cast %reduce_min3A_31 : vector<1024xf32> to vector<1024x1xf32>
    %eq3A = vector.broadcast %broadcast_in_dim3A_32 : vector<1024x1xf32> to vector<1024x2048xf32>
    %eq3A_33 = arith.cmpf oeq, %add3A_30, %eq3A : vector<1024x2048xf32>
    %jit3A = arith.constant 2048 : i32
    %broadcast_in_dim3A_34 = vector.broadcast %jit3A : i32 to vector<1024x2048xi32>
    %select_n3A = arith.select %eq3A_33, %iota3A, %broadcast_in_dim3A_34 : vector<1024x2048xi1>, vector<1024x2048xi32>
    %reduce_min3A_35 = arith.constant dense<2147483647> : vector<1024xi32>
    %reduce_min3A_36 = vector.multi_reduction <minsi>, %select_n3A, %reduce_min3A_35 [1] : vector<1024x2048xi32> to vector<1024xi32>
    %broadcast_in_dim3A_37 = vector.shape_cast %reduce_min3A_36 : vector<1024xi32> to vector<1024x1xi32>
    %add3A_38 = arith.constant 0 : i32
    %add3A_39 = vector.broadcast %add3A_38 : i32 to vector<1024x1xi32>
    %add3A_40 = arith.addi %broadcast_in_dim3A_37, %add3A_39 : vector<1024x1xi32>
    %get3A_41 = arith.constant 0 : index
    %get3A_42 = arith.constant 2048 : index
    %get3A_43 = vector.load %arg2[%get3A_41, %get3A_42] : memref<32x8192xf32, #tpu.memory_space<vmem>>, vector<32x2048xf32>
    %mul3A_44 = arith.mulf %get3A_43, %get3A_43 : vector<32x2048xf32>
    %reduce_sum3A_45 = arith.constant dense<0.000000e+00> : vector<2048xf32>
    %reduce_sum3A_46 = vector.multi_reduction <add>, %mul3A_44, %reduce_sum3A_45 [0] : vector<32x2048xf32> to vector<2048xf32>
    %broadcast_in_dim3A_47 = vector.shape_cast %reduce_sum3A_46 : vector<2048xf32> to vector<1x2048xf32>
    %convert_element_type3A_48 = arith.truncf %div3A_7 : vector<1024x32xf32> to vector<1024x32xbf16>
    %convert_element_type3A_49 = arith.truncf %get3A_43 : vector<32x2048xf32> to vector<32x2048xbf16>
    %dot_general3A_50 = arith.constant dense<0.000000e+00> : vector<1024x2048xf32>
    %dot_general3A_51 = tpu.matmul %convert_element_type3A_48, %convert_element_type3A_49, %dot_general3A_50 {dimension_numbers = #tpu.dot_dimension_numbers<[1], [0], [0], [1], [0, 0, 1, 1], [], []>, transpose_lhs_hint = false} : vector<1024x32xbf16>, vector<32x2048xbf16>, vector<1024x2048xf32> -> vector<1024x2048xf32>
    %mul3A_52 = arith.constant 2.000000e+00 : f32
    %mul3A_53 = vector.broadcast %mul3A_52 : f32 to vector<1024x2048xf32>
    %mul3A_54 = arith.mulf %mul3A_53, %dot_general3A_51 : vector<1024x2048xf32>
    %sub3A_55 = vector.broadcast %broadcast_in_dim3A_16 : vector<1024x1xf32> to vector<1024x2048xf32>
    %sub3A_56 = arith.subf %sub3A_55, %mul3A_54 : vector<1024x2048xf32>
    %add3A_57 = vector.broadcast %broadcast_in_dim3A_47 : vector<1x2048xf32> to vector<1024x2048xf32>
    %add3A_58 = arith.addf %sub3A_56, %add3A_57 : vector<1024x2048xf32>
    %reduce_min3A_59 = arith.constant dense<0x7F800000> : vector<1024xf32>
    %reduce_min3A_60 = vector.multi_reduction <minimumf>, %add3A_58, %reduce_min3A_59 [1] : vector<1024x2048xf32> to vector<1024xf32>
    %broadcast_in_dim3A_61 = vector.shape_cast %reduce_min3A_60 : vector<1024xf32> to vector<1024x1xf32>
    %eq3A_62 = vector.broadcast %broadcast_in_dim3A_61 : vector<1024x1xf32> to vector<1024x2048xf32>
    %eq3A_63 = arith.cmpf oeq, %add3A_58, %eq3A_62 : vector<1024x2048xf32>
    %jit3A_64 = arith.constant 2048 : i32
    %broadcast_in_dim3A_65 = vector.broadcast %jit3A_64 : i32 to vector<1024x2048xi32>
    %select_n3A_66 = arith.select %eq3A_63, %iota3A, %broadcast_in_dim3A_65 : vector<1024x2048xi1>, vector<1024x2048xi32>
    %reduce_min3A_67 = arith.constant dense<2147483647> : vector<1024xi32>
    %reduce_min3A_68 = vector.multi_reduction <minsi>, %select_n3A_66, %reduce_min3A_67 [1] : vector<1024x2048xi32> to vector<1024xi32>
    %broadcast_in_dim3A_69 = vector.shape_cast %reduce_min3A_68 : vector<1024xi32> to vector<1024x1xi32>
    %add3A_70 = arith.constant 2048 : i32
    %add3A_71 = vector.broadcast %add3A_70 : i32 to vector<1024x1xi32>
    %add3A_72 = arith.addi %broadcast_in_dim3A_69, %add3A_71 : vector<1024x1xi32>
    %lt3A = arith.cmpf olt, %broadcast_in_dim3A_61, %broadcast_in_dim3A_32 : vector<1024x1xf32>
    %select_n3A_73 = arith.select %lt3A, %broadcast_in_dim3A_61, %broadcast_in_dim3A_32 : vector<1024x1xi1>, vector<1024x1xf32>
    %select_n3A_74 = arith.select %lt3A, %add3A_72, %add3A_40 : vector<1024x1xi1>, vector<1024x1xi32>
    %get3A_75 = arith.constant 0 : index
    %get3A_76 = arith.constant 4096 : index
    %get3A_77 = vector.load %arg2[%get3A_75, %get3A_76] : memref<32x8192xf32, #tpu.memory_space<vmem>>, vector<32x2048xf32>
    %mul3A_78 = arith.mulf %get3A_77, %get3A_77 : vector<32x2048xf32>
    %reduce_sum3A_79 = arith.constant dense<0.000000e+00> : vector<2048xf32>
    %reduce_sum3A_80 = vector.multi_reduction <add>, %mul3A_78, %reduce_sum3A_79 [0] : vector<32x2048xf32> to vector<2048xf32>
    %broadcast_in_dim3A_81 = vector.shape_cast %reduce_sum3A_80 : vector<2048xf32> to vector<1x2048xf32>
    %convert_element_type3A_82 = arith.truncf %div3A_7 : vector<1024x32xf32> to vector<1024x32xbf16>
    %convert_element_type3A_83 = arith.truncf %get3A_77 : vector<32x2048xf32> to vector<32x2048xbf16>
    %dot_general3A_84 = arith.constant dense<0.000000e+00> : vector<1024x2048xf32>
    %dot_general3A_85 = tpu.matmul %convert_element_type3A_82, %convert_element_type3A_83, %dot_general3A_84 {dimension_numbers = #tpu.dot_dimension_numbers<[1], [0], [0], [1], [0, 0, 1, 1], [], []>, transpose_lhs_hint = false} : vector<1024x32xbf16>, vector<32x2048xbf16>, vector<1024x2048xf32> -> vector<1024x2048xf32>
    %mul3A_86 = arith.constant 2.000000e+00 : f32
    %mul3A_87 = vector.broadcast %mul3A_86 : f32 to vector<1024x2048xf32>
    %mul3A_88 = arith.mulf %mul3A_87, %dot_general3A_85 : vector<1024x2048xf32>
    %sub3A_89 = vector.broadcast %broadcast_in_dim3A_16 : vector<1024x1xf32> to vector<1024x2048xf32>
    %sub3A_90 = arith.subf %sub3A_89, %mul3A_88 : vector<1024x2048xf32>
    %add3A_91 = vector.broadcast %broadcast_in_dim3A_81 : vector<1x2048xf32> to vector<1024x2048xf32>
    %add3A_92 = arith.addf %sub3A_90, %add3A_91 : vector<1024x2048xf32>
    %reduce_min3A_93 = arith.constant dense<0x7F800000> : vector<1024xf32>
    %reduce_min3A_94 = vector.multi_reduction <minimumf>, %add3A_92, %reduce_min3A_93 [1] : vector<1024x2048xf32> to vector<1024xf32>
    %broadcast_in_dim3A_95 = vector.shape_cast %reduce_min3A_94 : vector<1024xf32> to vector<1024x1xf32>
    %eq3A_96 = vector.broadcast %broadcast_in_dim3A_95 : vector<1024x1xf32> to vector<1024x2048xf32>
    %eq3A_97 = arith.cmpf oeq, %add3A_92, %eq3A_96 : vector<1024x2048xf32>
    %jit3A_98 = arith.constant 2048 : i32
    %broadcast_in_dim3A_99 = vector.broadcast %jit3A_98 : i32 to vector<1024x2048xi32>
    %select_n3A_100 = arith.select %eq3A_97, %iota3A, %broadcast_in_dim3A_99 : vector<1024x2048xi1>, vector<1024x2048xi32>
    %reduce_min3A_101 = arith.constant dense<2147483647> : vector<1024xi32>
    %reduce_min3A_102 = vector.multi_reduction <minsi>, %select_n3A_100, %reduce_min3A_101 [1] : vector<1024x2048xi32> to vector<1024xi32>
    %broadcast_in_dim3A_103 = vector.shape_cast %reduce_min3A_102 : vector<1024xi32> to vector<1024x1xi32>
    %add3A_104 = arith.constant 4096 : i32
    %add3A_105 = vector.broadcast %add3A_104 : i32 to vector<1024x1xi32>
    %add3A_106 = arith.addi %broadcast_in_dim3A_103, %add3A_105 : vector<1024x1xi32>
    %get3A_107 = arith.constant 0 : index
    %get3A_108 = arith.constant 6144 : index
    %get3A_109 = vector.load %arg2[%get3A_107, %get3A_108] : memref<32x8192xf32, #tpu.memory_space<vmem>>, vector<32x2048xf32>
    %mul3A_110 = arith.mulf %get3A_109, %get3A_109 : vector<32x2048xf32>
    %reduce_sum3A_111 = arith.constant dense<0.000000e+00> : vector<2048xf32>
    %reduce_sum3A_112 = vector.multi_reduction <add>, %mul3A_110, %reduce_sum3A_111 [0] : vector<32x2048xf32> to vector<2048xf32>
    %broadcast_in_dim3A_113 = vector.shape_cast %reduce_sum3A_112 : vector<2048xf32> to vector<1x2048xf32>
    %convert_element_type3A_114 = arith.truncf %div3A_7 : vector<1024x32xf32> to vector<1024x32xbf16>
    %convert_element_type3A_115 = arith.truncf %get3A_109 : vector<32x2048xf32> to vector<32x2048xbf16>
    %dot_general3A_116 = arith.constant dense<0.000000e+00> : vector<1024x2048xf32>
    %dot_general3A_117 = tpu.matmul %convert_element_type3A_114, %convert_element_type3A_115, %dot_general3A_116 {dimension_numbers = #tpu.dot_dimension_numbers<[1], [0], [0], [1], [0, 0, 1, 1], [], []>, transpose_lhs_hint = false} : vector<1024x32xbf16>, vector<32x2048xbf16>, vector<1024x2048xf32> -> vector<1024x2048xf32>
    %mul3A_118 = arith.constant 2.000000e+00 : f32
    %mul3A_119 = vector.broadcast %mul3A_118 : f32 to vector<1024x2048xf32>
    %mul3A_120 = arith.mulf %mul3A_119, %dot_general3A_117 : vector<1024x2048xf32>
    %sub3A_121 = vector.broadcast %broadcast_in_dim3A_16 : vector<1024x1xf32> to vector<1024x2048xf32>
    %sub3A_122 = arith.subf %sub3A_121, %mul3A_120 : vector<1024x2048xf32>
    %add3A_123 = vector.broadcast %broadcast_in_dim3A_113 : vector<1x2048xf32> to vector<1024x2048xf32>
    %add3A_124 = arith.addf %sub3A_122, %add3A_123 : vector<1024x2048xf32>
    %reduce_min3A_125 = arith.constant dense<0x7F800000> : vector<1024xf32>
    %reduce_min3A_126 = vector.multi_reduction <minimumf>, %add3A_124, %reduce_min3A_125 [1] : vector<1024x2048xf32> to vector<1024xf32>
    %broadcast_in_dim3A_127 = vector.shape_cast %reduce_min3A_126 : vector<1024xf32> to vector<1024x1xf32>
    %eq3A_128 = vector.broadcast %broadcast_in_dim3A_127 : vector<1024x1xf32> to vector<1024x2048xf32>
    %eq3A_129 = arith.cmpf oeq, %add3A_124, %eq3A_128 : vector<1024x2048xf32>
    %jit3A_130 = arith.constant 2048 : i32
    %broadcast_in_dim3A_131 = vector.broadcast %jit3A_130 : i32 to vector<1024x2048xi32>
    %select_n3A_132 = arith.select %eq3A_129, %iota3A, %broadcast_in_dim3A_131 : vector<1024x2048xi1>, vector<1024x2048xi32>
    %reduce_min3A_133 = arith.constant dense<2147483647> : vector<1024xi32>
    %reduce_min3A_134 = vector.multi_reduction <minsi>, %select_n3A_132, %reduce_min3A_133 [1] : vector<1024x2048xi32> to vector<1024xi32>
    %broadcast_in_dim3A_135 = vector.shape_cast %reduce_min3A_134 : vector<1024xi32> to vector<1024x1xi32>
    %add3A_136 = arith.constant 6144 : i32
    %add3A_137 = vector.broadcast %add3A_136 : i32 to vector<1024x1xi32>
    %add3A_138 = arith.addi %broadcast_in_dim3A_135, %add3A_137 : vector<1024x1xi32>
    %lt3A_139 = arith.cmpf olt, %broadcast_in_dim3A_127, %broadcast_in_dim3A_95 : vector<1024x1xf32>
    %select_n3A_140 = arith.select %lt3A_139, %broadcast_in_dim3A_127, %broadcast_in_dim3A_95 : vector<1024x1xi1>, vector<1024x1xf32>
    %select_n3A_141 = arith.select %lt3A_139, %add3A_138, %add3A_106 : vector<1024x1xi1>, vector<1024x1xi32>
    %convert_element_type3A_142 = arith.truncf %select_n3A_73 : vector<1024x1xf32> to vector<1024x1xbf16>
    %convert_element_type3A_143 = arith.extf %convert_element_type3A_142 : vector<1024x1xbf16> to vector<1024x1xf32>
    %lt3A_144 = arith.cmpf olt, %select_n3A_140, %convert_element_type3A_143 : vector<1024x1xf32>
    %select_n3A_145 = arith.select %lt3A_144, %select_n3A_141, %select_n3A_74 : vector<1024x1xi1>, vector<1024x1xi32>
    %swap3A_146 = arith.constant 0 : index
    %swap3A_147 = arith.constant 0 : index
    %swap3A_148 = arith.constant 0 : index
    %swap3A_149 = vector.load %arg4[%swap3A_146, %swap3A_147, %swap3A_148] : memref<1x1024x1xi32, #tpu.memory_space<vmem>>, vector<1x1024x1xi32>
    %swap3A_150 = vector.shape_cast %swap3A_149 : vector<1x1024x1xi32> to vector<1024x1xi32>
    %swap3A_151 = vector.shape_cast %select_n3A_145 : vector<1024x1xi32> to vector<1x1024x1xi32>
    tpu.vector_store %arg4[%swap3A_146, %swap3A_147, %swap3A_148], %swap3A_151 {strides = array<i32>} : memref<1x1024x1xi32, #tpu.memory_space<vmem>>, vector<1x1024x1xi32>,
    return
  }
  func.func @transform_0(%arg0: i32) -> (i32, i32, i32) {
    %c0_i32 = arith.constant 0 : i32
    %c0_i32_0 = arith.constant 0 : i32
    %c0_i32_1 = arith.constant 0 : i32
    return %arg0, %c0_i32, %c0_i32_0 : i32, i32, i32
  }
  func.func @transform_1(%arg0: i32) -> (i32, i32) {
    %c0_i32 = arith.constant 0 : i32
    %c0_i32_0 = arith.constant 0 : i32
    %c0_i32_1 = arith.constant 0 : i32
    return %c0_i32, %c0_i32_0 : i32, i32
  }
  func.func @transform_2(%arg0: i32) -> (i32, i32, i32) {
    %c0_i32 = arith.constant 0 : i32
    %c0_i32_0 = arith.constant 0 : i32
    %c0_i32_1 = arith.constant 0 : i32
    return %arg0, %c0_i32, %c0_i32_0 : i32, i32, i32
  }
  func.func @transform_3(%arg0: i32) -> (i32, i32, i32) {
    %c0_i32 = arith.constant 0 : i32
    %c0_i32_0 = arith.constant 0 : i32
    %c0_i32_1 = arith.constant 0 : i32
    return %arg0, %c0_i32, %c0_i32_0 : i32, i32, i32
  }
}

module attributes {stable_mosaic.version = 14 : i64} {
  func.func @_epi_body(%arg0: memref<16384x32xf32, #tpu.memory_space<vmem>>, %arg1: memref<16384x32xf32, #tpu.memory_space<vmem>>, %arg2: memref<32x8192xf32, #tpu.memory_space<vmem>>, %arg3: memref<16384x32xf32, #tpu.memory_space<vmem>>, %arg4: memref<1x1xf32, #tpu.memory_space<vmem>>, %arg5: memref<1x8192xf32, #tpu.memory_space<vmem>>, %arg6: memref<1x1xf32, #tpu.memory_space<vmem>>) attributes {dimension_semantics = [], scalar_prefetch = 0 : i64, scratch_operands = 0 : i64, tpu.core_type = #tpu.core_type<tc>} {
    %get3A = arith.constant 0 : index
    %get3A_0 = arith.constant 0 : index
    %get3A_1 = vector.load %arg0[%get3A, %get3A_0] : memref<16384x32xf32, #tpu.memory_space<vmem>>, vector<16384x32xf32>
    %get3A_2 = arith.constant 0 : index
    %get3A_3 = arith.constant 0 : index
    %get3A_4 = vector.load %arg1[%get3A_2, %get3A_3] : memref<16384x32xf32, #tpu.memory_space<vmem>>, vector<16384x32xf32>
    %sub3A = arith.subf %get3A_4, %get3A_1 : vector<16384x32xf32>
    %add3A = arith.addf %get3A_1, %sub3A : vector<16384x32xf32>
    %swap3A = arith.constant 0 : index
    %swap3A_5 = arith.constant 0 : index
    %swap3A_6 = vector.load %arg3[%swap3A, %swap3A_5] : memref<16384x32xf32, #tpu.memory_space<vmem>>, vector<16384x32xf32>
    tpu.vector_store %arg3[%swap3A, %swap3A_5], %add3A {strides = array<i32>} : memref<16384x32xf32, #tpu.memory_space<vmem>>, vector<16384x32xf32>,
    %abs3A = math.absf %sub3A : vector<16384x32xf32>
    %reduce_sum3A = vector.shape_cast %abs3A : vector<16384x32xf32> to vector<1x16384x32xf32>
    %reduce_sum3A_7 = arith.constant dense<0.000000e+00> : vector<1xf32>
    %reduce_sum3A_8 = vector.multi_reduction <add>, %reduce_sum3A, %reduce_sum3A_7 [1, 2] : vector<1x16384x32xf32> to vector<1xf32>
    %reduce_sum3A_9 = vector.shape_cast %reduce_sum3A_8 : vector<1xf32> to vector<1x1x1xf32>
    %reduce_sum3A_10 = vector.extract %reduce_sum3A_9[0, 0, 0] : f32 from vector<1x1x1xf32>
    %div3A = arith.constant 5.242880e+05 : f32
    %div3A_11 = arith.divf %reduce_sum3A_10, %div3A : f32
    %reshape3A = vector.broadcast %div3A_11 : f32 to vector<1x1xf32>
    %swap3A_12 = arith.constant 0 : index
    %swap3A_13 = arith.constant 0 : index
    %swap3A_14 = vector.load %arg4[%swap3A_12, %swap3A_13] : memref<1x1xf32, #tpu.memory_space<vmem>>, vector<1x1xf32>
    tpu.vector_store %arg4[%swap3A_12, %swap3A_13], %reshape3A {strides = array<i32>} : memref<1x1xf32, #tpu.memory_space<vmem>>, vector<1x1xf32>,
    %get3A_15 = arith.constant 0 : index
    %get3A_16 = arith.constant 0 : index
    %get3A_17 = vector.load %arg2[%get3A_15, %get3A_16] : memref<32x8192xf32, #tpu.memory_space<vmem>>, vector<32x8192xf32>
    %reduce_sum3A_18 = arith.constant dense<0.000000e+00> : vector<8192xf32>
    %reduce_sum3A_19 = vector.multi_reduction <add>, %get3A_17, %reduce_sum3A_18 [0] : vector<32x8192xf32> to vector<8192xf32>
    %broadcast_in_dim3A = vector.shape_cast %reduce_sum3A_19 : vector<8192xf32> to vector<1x8192xf32>
    %reduce_sum3A_20 = vector.shape_cast %broadcast_in_dim3A : vector<1x8192xf32> to vector<1x1x8192xf32>
    %reduce_sum3A_21 = arith.constant dense<0.000000e+00> : vector<1xf32>
    %reduce_sum3A_22 = vector.multi_reduction <add>, %reduce_sum3A_20, %reduce_sum3A_21 [1, 2] : vector<1x1x8192xf32> to vector<1xf32>
    %reduce_sum3A_23 = vector.shape_cast %reduce_sum3A_22 : vector<1xf32> to vector<1x1x1xf32>
    %reduce_sum3A_24 = vector.extract %reduce_sum3A_23[0, 0, 0] : f32 from vector<1x1x1xf32>
    %add3A_25 = arith.constant 9.99999974E-6 : f32
    %add3A_26 = arith.addf %reduce_sum3A_24, %add3A_25 : f32
    %div3A_27 = vector.broadcast %add3A_26 : f32 to vector<1x8192xf32>
    %div3A_28 = arith.divf %broadcast_in_dim3A, %div3A_27 : vector<1x8192xf32>
    %swap3A_29 = arith.constant 0 : index
    %swap3A_30 = arith.constant 0 : index
    %swap3A_31 = vector.load %arg5[%swap3A_29, %swap3A_30] : memref<1x8192xf32, #tpu.memory_space<vmem>>, vector<1x8192xf32>
    tpu.vector_store %arg5[%swap3A_29, %swap3A_30], %div3A_28 {strides = array<i32>} : memref<1x8192xf32, #tpu.memory_space<vmem>>, vector<1x8192xf32>,
    %max3A = arith.constant 9.99999974E-6 : f32
    %max3A_32 = vector.broadcast %max3A : f32 to vector<1x8192xf32>
    %max3A_33 = arith.maximumf %div3A_28, %max3A_32 : vector<1x8192xf32>
    %log3A = math.log %max3A_33 : vector<1x8192xf32>
    %mul3A = arith.mulf %div3A_28, %log3A : vector<1x8192xf32>
    %reduce_sum3A_34 = vector.shape_cast %mul3A : vector<1x8192xf32> to vector<1x1x8192xf32>
    %reduce_sum3A_35 = arith.constant dense<0.000000e+00> : vector<1xf32>
    %reduce_sum3A_36 = vector.multi_reduction <add>, %reduce_sum3A_34, %reduce_sum3A_35 [1, 2] : vector<1x1x8192xf32> to vector<1xf32>
    %reduce_sum3A_37 = vector.shape_cast %reduce_sum3A_36 : vector<1xf32> to vector<1x1x1xf32>
    %reduce_sum3A_38 = vector.extract %reduce_sum3A_37[0, 0, 0] : f32 from vector<1x1x1xf32>
    %neg3A = arith.constant 0.000000e+00 : f32
    %neg3A_39 = arith.subf %neg3A, %reduce_sum3A_38 : f32
    %exp3A = math.exp %neg3A_39 : f32
    %reshape3A_40 = vector.broadcast %exp3A : f32 to vector<1x1xf32>
    %swap3A_41 = arith.constant 0 : index
    %swap3A_42 = arith.constant 0 : index
    %swap3A_43 = vector.load %arg6[%swap3A_41, %swap3A_42] : memref<1x1xf32, #tpu.memory_space<vmem>>, vector<1x1xf32>
    tpu.vector_store %arg6[%swap3A_41, %swap3A_42], %reshape3A_40 {strides = array<i32>} : memref<1x1xf32, #tpu.memory_space<vmem>>, vector<1x1xf32>,
    return
  }
}

</mosaic_0001>

<sc_bundles>
// kernel: kernel.5.cloned.1.call-start
scs
__scs_entry_jumppad:
0x0: {  	(pc) =	sbr.rel $0x88, $3  }
0x1: {  	(tag) =	ssettag $0x0;
	lr =	simm.s32 $0x1  }
0x2: {  	[smem:$0x3F9F] =	sst lr;
	_ =	strace $0xD0000000  }
0x3: {  	_ = 	snop  }
0x4: {  	_ = 	snop  }
0x5: {  	_ = 	snop  }
0x6: {  	_ = 	snop  }
0x7: {  	_ = 	snop  }
__scs_overlays_trampoline_lowered:
0x8: {  	[smem:$0x3FAE] =	sst s0  }
0x9: {  	[smem:$0x3FAF] =	sst s1  }
0xa: {  	[smem:$0x3FB0] =	sst s2  }
0xb: {  	[smem:$0x3FB1] =	sst s3  }
0xc: {  	[smem:$0x3FB2] =	sst s4  }
0xd: {  	[smem:$0x3FB3] =	sst s5  }
0xe: {  	[smem:$0x3FB4] =	sst s6  }
0xf: {  	[smem:$0x3FB5] =	sst s7  }
0x10: {  	[smem:$0x3FB6] =	sst s8  }
0x11: {  	[smem:$0x3FB7] =	sst s9;
	s0 =	simm.s32 @!p0 $0x0  }
0x12: {  	s1 =	sld [smem:$0x3F9D];
	s0 =	simm.s32 @p0 $0x1  }
0x13: {  	[smem:$0x3FB8] =	sst s0;
	s0 =	simm.s32 @!p1 $0x0  }
0x14: {  	s2 =	sld [smem:$0x3F9C];
	s0 =	simm.s32 @p1 $0x1  }
0x15: {  	[smem:$0x3FB9] =	sst s0;
	s0 =	simm.s32 @!p2 $0x0  }
0x16: {  	s3 =	sld [smem:$0x3FDB];
	s0 =	simm.s32 @p2 $0x1  }
0x17: {  	s4 =	simm.s32 $0x1BF5;
	[smem:$0x3FBB] =	sst s0  }
0x18: {  	s0 =	sld [smem:$0x3F9E];
	_ =	swait.ge [sflag:s4], $0x0  }
0x19: {  	s7 =	sld [smem:$0x3F9F]  }
0x1a: {  	s8 =	sadd.s32 $0xFFFFE003, lr  }
0x1b: {  	s9 =	sadd.s32 $0xFFFFFEF7, lr;
	s5 =	simm.s32 $0xFFFFFFFF;
	p2 =	slt.u32 s8, $0xFFFFF086  }
0x1c: {  	p1 =	slt.u32 s9, $0xF7A;
	s5 =	simm.s32 @!p2 $0x0  }
0x1d: {  	s5 =	simm.s32 @p1 $0x1;
	p0 =	seq.s32 s7, s2  }
0x1e: {  	s7 =	smul.u32 @!p0 $0xF7A, s2;
	p2 =	seq.s32 @!p0 s5, $0x0  }
0x1f: {  	s9 =	smul.u32 $0xF7A, s1;
	s8 =	simm.s32 @!p0 $0x1BF5;
	p2 =	por !p2, p0  }
0x20: {  	[sflag:s8] =	ssyncset.s32 @!p0 $0xFFFFF086;
	s6 =	sadd.s32 @!p0 s3, s7;
	s7 =	simm.s32 @!p0 $0x108  }
0x21: {  	s3 =	sadd.s32 s3, s9;
	s6 =	sadd.s32 @!p0 $0x88, s6;
	s7 =	simm.s32 @p2 $0x1082  }
0x22: {  	[simem:s7], [sflag:s8] =	dma.local @!p0 [hbm:s6], $0xF7A  }
0x23: {  	s9 =	sor.u32 $0xD0000000, s2;
	s6 =	simm.s32 $0x108;
	_ =	swait.ge @!p0 [sflag:s8], $0x0  }
0x24: {  	s3 =	sadd.s32 $0x88, s3;
	s6 =	simm.s32 @!p1 $0x1082;
	[sflag:s4] =	ssyncset.s32 $0xFFFFF086  }
0x25: {  	[simem:s6], [sflag:s4] =	dma.local [hbm:s3], $0xF7A  }
0x26: {  	[smem:$0x3F9F] =	sst s1;
	(tag) =	ssettag s2;
	_ =	strace s9  }
0x27: {  	s1 =	sld [smem:$0x3FAF]  }
0x28: {  	s2 =	sld [smem:$0x3FB0]  }
0x29: {  	s4 =	sld [smem:$0x3FB2]  }
0x2a: {  	p0 =	seq.s32 s5, $0x0;
	s5 =	sld [smem:$0x3FB3]  }
0x2b: {  	s6 =	sld [smem:$0x3FB4]  }
0x2c: {  	s7 =	sld [smem:$0x3FB5]  }
0x2d: {  	s3 =	simm.s32 $0x108;
	s8 =	sld [smem:$0x3FB6]  }
0x2e: {  	s3 =	simm.s32 @!p0 $0x1082;
	s9 =	sld [smem:$0x3FB7]  }
0x2f: {  	lr =	sadd.s32 s0, s3;
	s0 =	sld [smem:$0x3FAE]  }
0x30: {  	s3 =	sld [smem:$0x3FB1]  }
0x31: {  	[smem:$0x3FBA] =	sst s10  }
0x32: {  	s10 =	sld [smem:$0x3FB8];
	_ =	sdelay $0x3  }
0x33: {  	p0 =	seq.s32 s10, $0x1;
	s10 =	sld [smem:$0x3FBA];
	_ =	sdelay $0x3  }
0x34: {  	[smem:$0x3FBA] =	sst s10  }
0x35: {  	s10 =	sld [smem:$0x3FB9];
	_ =	sdelay $0x3  }
0x36: {  	p1 =	seq.s32 s10, $0x1;
	s10 =	sld [smem:$0x3FBA];
	_ =	sdelay $0x3  }
0x37: {  	[smem:$0x3FBA] =	sst s10  }
0x38: {  	s10 =	sld [smem:$0x3FBB]  }
0x39: {  	_ = 	snop;
	(pc) =	sbr.ind lr, $3  }
0x3a: {  	_ = 	snop  }
0x3b: {  	_ = 	snop  }
0x3c: {  	p2 =	seq.s32 s10, $0x1;
	s10 =	sld [smem:$0x3FBA]  }
0x3d: {  	_ =	shalt  }
0x3e: {  	_ =	shalt  }
0x3f: {  	_ =	shalt  }
0x40: {  	_ =	shalt  }
0x41: {  	_ =	shalt  }
0x42: {  	_ =	shalt  }
0x43: {  	_ =	shalt  }
0x44: {  	_ =	shalt  }
0x45: {  	_ =	shalt  }
0x46: {  	_ =	shalt  }
0x47: {  	_ =	shalt  }
0x48: {  	_ =	shalt  }
0x49: {  	_ =	shalt  }
0x4a: {  	_ =	shalt  }
0x4b: {  	_ =	shalt  }
0x4c: {  	_ =	shalt  }
0x4d: {  	_ =	shalt  }
0x4e: {  	_ =	shalt  }
0x4f: {  	_ =	shalt  }
0x50: {  	_ =	shalt  }
0x51: {  	_ =	shalt  }
0x52: {  	_ =	shalt  }
0x53: {  	_ =	shalt  }
0x54: {  	_ =	shalt  }
0x55: {  	_ =	shalt  }
0x56: {  	_ =	shalt  }
0x57: {  	_ =	shalt  }
0x58: {  	_ =	shalt  }
0x59: {  	_ =	shalt  }
0x5a: {  	_ =	shalt  }
0x5b: {  	_ =	shalt  }
0x5c: {  	_ =	shalt  }
0x5d: {  	_ =	shalt  }
0x5e: {  	_ =	shalt  }
0x5f: {  	_ =	shalt  }
0x60: {  	_ =	shalt  }
0x61: {  	_ =	shalt  }
0x62: {  	_ =	shalt  }
0x63: {  	_ =	shalt  }
0x64: {  	_ =	shalt  }
0x65: {  	_ =	shalt  }
0x66: {  	_ =	shalt  }
0x67: {  	_ =	shalt  }
0x68: {  	_ =	shalt  }
0x69: {  	_ =	shalt  }
0x6a: {  	_ =	shalt  }
0x6b: {  	_ =	shalt  }
0x6c: {  	_ =	shalt  }
0x6d: {  	_ =	shalt  }
0x6e: {  	_ =	shalt  }
0x6f: {  	_ =	shalt  }
0x70: {  	_ =	shalt  }
0x71: {  	_ =	shalt  }
0x72: {  	_ =	shalt  }
0x73: {  	_ =	shalt  }
0x74: {  	_ =	shalt  }
0x75: {  	_ =	shalt  }
0x76: {  	_ =	shalt  }
0x77: {  	_ =	shalt  }
0x78: {  	_ =	shalt  }
0x79: {  	_ =	shalt  }
0x7a: {  	_ =	shalt  }
0x7b: {  	_ =	shalt  }
0x7c: {  	_ =	shalt  }
0x7d: {  	_ =	shalt  }
0x7e: {  	_ =	shalt  }
0x7f: {  	_ =	shalt  }
0x80: {  	_ =	shalt  }
0x81: {  	_ =	shalt  }
0x82: {  	_ =	shalt  }
0x83: {  	_ =	shalt  }
0x84: {  	_ =	shalt  }
0x85: {  	_ =	shalt  }
0x86: {  	_ =	shalt  }
0x87: {  	_ =	shalt  }
.Lfunc_end0:
.L_simem_size_0:
called_computation_lowered:
.L_overlay_start_0:
0x88: {  	s2 =	sld [smem:$0x3FD9]  }
0x89: {  	s3 =	sld [smem:$0x3FFE];
	_ =	sdelay $0x1  }
0x8a: {  	s1 =	srdreg.scid  }
0x8b: {  	s0 =	sand.u32 $0x1, s1  }
0x8c: {  	s14 =	sshll.u32 s0, $0xA;
	s2 =	sadd.s32 s3, s2  }
0x8d: {  	s2 =	sadd.s32 s2, s14  }
0x8e: {  	[smem:$0x3FC6] =	sst s2  }
0x8f: {  	_ = 	snop  }
0x90: {  	s2 =	sld [smem:$0x3FD0];
	_ =	sdelay $0x2  }
0x91: {  	s15 =	simm.s32 $0xA;
	s4 =	simm.s32 $0x10  }
0x92: {  	[smem:s4], [sflag:s15] =	dma.local [hbm:s2], $0x1  }
0x93: {  	_ =	swait.eq [sflag:s15], $0x1  }
0x94: {  	[sflag:s15] =	ssyncset.done $0x0  }
0x95: {  	[sflag:s15] =	ssyncadd.s32 $0xFFFFFFFF  }
0x96: {  	s16 =	sld [smem:$0x10];
	(tm) =	ssettm $0x1  }
0x97: {  	s17 =	sld [smem:$0x3FFB];
	_ =	sdelay $0x3  }
0x98: {  	_ =	strace s17  }
0x99: {  	s3 =	sld [smem:$0x3FFC];
	_ =	sdelay $0x3  }
0x9a: {  	_ =	strace s3  }
0x9b: {  	s3 =	sld [smem:$0x3FFD];
	_ =	sdelay $0x3  }
0x9c: {  	_ =	strace s3  }
0x9d: {  	_ =	strace $0x8FFFFFFF  }
0x9e: {  	s18 =	sld [smem:$0x3FDB];
	_ =	sdelay $0x1  }
0x9f: {  	s19 =	simm.s32 $_scs_section_size  }
0xa0: {  	s5 =	simm.s32 $_size__tile_overlayer_lowered;
	s6 =	simm.s32 $_tile_overlayer_lowered  }
0xa1: {  	s22 =	simm.s32 $0x1BFF;
	s21 =	sshll.u32 s6, $0x1;
	s3 =	sadd.s32 s19, s18  }
0xa2: {  	s7 =	simm.s32 $0x0;
	s20 =	sshll.u32 s5, $0x1;
	s5 =	sadd.s32 s21, s3  }
0xa3: {  	[timem:s7], [sflag:s22] =	dma.local [hbm:s5], s20  }
0xa4: {  	_ =	swait.ge [sflag:s22], s20  }
0xa5: {  	s4 =	ssub.s32 $0x0, s20;
	[sflag:s22] =	ssyncset.done $0x0  }
0xa6: {  	[sflag:s22] =	ssyncadd.s32 s4;
	_ =	sdelay $0x1  }
0xa7: {  	s23 =	simm.s32 $0x1B8B  }
0xa8: {  	_ =	swait.ge [sflag:s23], $0x1  }
0xa9: {  	[sflag:s23] =	ssyncset.done $0x0  }
0xaa: {  	s25 =	simm.s32 $0x1B8E;
	s24 =	sld [smem:$0x3FFE];
	[sflag:s23] =	ssyncadd.s32 $0xFFFFFFFF  }
0xab: {  	s26 =	simm.s32 $execute0_lowered;
	[smem:$0x3FD2] =	sst s25  }
0xac: {  	s5 =	sshll.u32 s26, $0x1;
	_ =	strace $0x80000046;
	[dreg:$0x1] =	wrdreg $0xFFFFFFFF  }
0xad: {  	s28 =	simm.s32 $_size_execute0_lowered;
	s3 =	sadd.s32 s3, s5;
	[dreg:$0x0] =	wrdreg $0x0  }
0xae: {  	s5 =	sshll.u32 s28, $0x1;
	[dreg:$0x2] =	wrdreg s3  }
0xaf: {  	[dreg:$0x3] =	wrdreg s5  }
0xb0: {  	[dreg:$0x4] =	wrdreg $0xC0  }
0xb1: {  	_ =	task [dreg:s7], $0x5FFFF  }
0xb2: {  	[dreg:$0x1] =	wrdreg $0xFFFFFFFF  }
0xb3: {  	[dreg:$0x0] =	wrdreg $0x60  }
0xb4: {  	[dreg:$0x2] =	wrdreg s24  }
0xb5: {  	[dreg:$0x3] =	wrdreg s16  }
0xb6: {  	[dreg:$0x4] =	wrdreg $0x9  }
0xb7: {  	_ =	task.clear_ibuf [dreg:s7], $0x5FFFF;
	_ =	strace $0x90000046  }
0xb8: {  	s29 =	simm.s32 $0x9;
	_ =	strace $0x80000048  }
0xb9: {  	_ =	swait.ge [sflag:s29], $0x1  }
0xba: {  	[sflag:s29] =	ssyncadd.s32 $0xFFFFFFFF  }
0xbb: {  	_ =	strace $0x90000048  }
0xbc: {  	_ =	sfence  }
0xbd: {  	s30 =	sld [smem:$0x0];
	_ =	sdelay $0x2  }
0xbe: {  	s31 =	sshll.u32 s1, $0xD;
	s1 =	sshrl.u32 s1, $0x2  }
0xbf: {  	s3 =	sand.u32 $0x4000, s31;
	s1 =	sadd.s32 s1, s30  }
0xc0: {  	s0 =	sor.u32 s3, s0;
	s1 =	sshll.u32 s1, $0x11  }
0xc1: {  	s0 =	sor.u32 s1, s0  }
0xc2: {  	s0 =	sadd.s32 $0x8F2B, s0  }
0xc3: {  	[sflag:s0] =	ssyncadd.remote.s32 $0x1  }
0xc4: {  	_ =	sfence.sel $0xFFFF  }
0xc5: {  	[dreg:$0x0] =	wrdreg $0xFFFFFFFF;
	(pc) =	sbr.abs _section_cstart, $3  }
0xc6: {  	[dreg:$0x1] =	wrdreg $0xFFFFFFFF  }
0xc7: {  	_ =	task.clear_ibuf [dreg:s7], $0x2FFFF;
	_ =	strace $0x9FFFFFFF  }
0xc8: {  	(tm) =	ssettm $0x7FFFFFFF  }
0xc9: {  	_ =	shalt  }
tec
execute0_lowered:
.L_overlay_start_1:
0x0: {  	(tag) =	ssettag $0x1  }
0x1: {  	s4 =	rddreg [dreg:$0x0]  }
0x2: {  	s5 =	rddreg [dreg:$0x1]  }
0x3: {  	s0 =	rddreg [dreg:$0x2];
	s2 =	simm.s32 $0x0;
	s3 =	srdreg.scid  }
0x4: {  	s1 =	stileid.u32;
	s11 =	simm.s32 $0x1;
	s12 =	simm.s32 $0x1200  }
0x5: {  	s13 =	simm.s32 $0x100;
	s14 =	simm.s32 $0x2200;
	s15 =	simm.s32 $0x180  }
0x6: {  	s16 =	simm.s32 $0x3200;
	s17 =	simm.s32 $0x4200;
	s18 =	simm.s32 $0x0  }
0x7: {  	[smem:$0x7FF] =	sst s2;
	s6 =	sand.u32 $0x1, s3;
	s30 =	sshll.u32 s1, $0x1  }
0x8: {  	s3 =	sadd.s32 $0xE00, s4;
	_ =	strace $0x80000047;
	s7 =	sor.u32 s6, s30  }
0x9: {  	s6 =	ssub.s32 $0x2, s6;
	s8 =	sshll.u32 s7, $0x6;
	s9 =	sshll.u32 s7, $0xA  }
0xa: {  	s10 =	sshrl.u32 s6, $0x1;
	s31 =	sshll.u32 s7, $0xB;
	s8 =	sadd.s32 s8, s4  }
0xb: {  	s9 =	sadd.s32 s9, s4;
	s10 =	ssub.s32 s6, s10;
	s5 =	sadd.s32 s5, s31  }
0xc: {  	s4 =	sadd.s32 $0x8E00, s8;
	s6 =	sadd.s32 $0x9600, s9;
	s7 =	smax.u32 s10, $0x1  }
0xd: {  	v0 =	vimm.f32 $0.0e+00;
	v1 =	vimm.f32 $1.000000000e+00;
	s8 =	simm.s32 $0x2;
	s9 =	simm.s32 $0x80;
	s10 =	simm.s32 $0x200  }
.LBB2_1:
0xe: {  	[tilespmem:s2], [sflag:$0x2] =	stream.linear.gather [hbm4b:s4+s2], $0x200, $0x38;
	[tilespmem:$0x6200] =	vst v63  }
0xf: {  	_ =	swait.ge [sflag:s8], $0x200  }
0x10: {  	[sflag:s8] =	ssyncset.done $0x0  }
0x11: {  	[sflag:s8] =	ssyncadd.s32 $0xFFFFFE00  }
0x12: {  	[tilespmem:s10], [sflag:$0x1] =	stream.indirect.gather [hbm4b:s3+s9], $0x20, s2, s9, $0xb8;
	[tilespmem:$0x6200] =	vst v63  }
0x13: {  	_ =	swait.ge [sflag:s11], $0x1000  }
0x14: {  	[sflag:s11] =	ssyncset.done $0x0  }
0x15: {  	[sflag:s11] =	ssyncadd.s32 $0xFFFFF000  }
0x16: {  	[tilespmem:s12], [sflag:$0x1] =	stream.indirect.gather [hbm4b:s3+s9], $0x20, s9, s9, $0xb8;
	[tilespmem:$0x6200] =	vst v63  }
0x17: {  	_ =	swait.ge [sflag:s11], $0x1000  }
0x18: {  	[sflag:s11] =	ssyncset.done $0x0  }
0x19: {  	[sflag:s11] =	ssyncadd.s32 $0xFFFFF000  }
0x1a: {  	[tilespmem:s14], [sflag:$0x1] =	stream.indirect.gather [hbm4b:s3+s9], $0x20, s13, s9, $0xb8;
	[tilespmem:$0x6200] =	vst v63  }
0x1b: {  	_ =	swait.ge [sflag:s11], $0x1000  }
0x1c: {  	[sflag:s11] =	ssyncset.done $0x0  }
0x1d: {  	[sflag:s11] =	ssyncadd.s32 $0xFFFFF000  }
0x1e: {  	[tilespmem:s16], [sflag:$0x1] =	stream.indirect.gather [hbm4b:s3+s9], $0x20, s15, s9, $0xb8;
	[tilespmem:$0x6200] =	vst v63  }
0x1f: {  	_ =	swait.ge [sflag:s11], $0x1000  }
0x20: {  	[sflag:s11] =	ssyncset.done $0x0  }
0x21: {  	[sflag:s11] =	ssyncadd.s32 $0xFFFFF000  }
0x22: {  	[hbm4b:s5+s2] =	stream.linear.scatter [tilespmem:s10], [sflag:$0x2], $0x4000, $0x38;
	[tilespmem:$0x6200] =	vst v63  }
0x23: {  	_ =	swait.ge [sflag:s8], $0x4000  }
0x24: {  	[sflag:s8] =	ssyncset.done $0x0  }
0x25: {  	s19 =	simm.s32 $0x40;
	s20 =	simm.s32 $0x0;
	[sflag:s8] =	ssyncadd.s32 $0xFFFFC000  }
.LBB2_2:
0x26: {  	p0 =	sne.s32 s19, $0x7FC0;
	[tilespmem:s20+$0x4200] =	vst v0;
	s20 =	smov.u32 s19;
	s19 =	sadd.s32 $0x40, s19  }
.Ltmp0:
0x27: {  	(pc) =	sbr.rel @p0 .LBB2_2-.Ltmp0, $2  }
0x28: {  	_ =	sdelay $0x2  }
0x29: {  	s20 =	sshra.s32 s20, $0x2  }
0x2a: {  	[tilespmem:s20+$0x4200] =	vst v0  }
0x2b: {  	v2 =	vld [tilespmem:$0x0];
	_ =	sdelay $0x7  }
0x2c: {  	[tilespmem:v2+s17+$0x0] =	vst.idx.add.f32.msk $0xffff, v1  }
0x2d: {  	v2 =	vld [tilespmem:$0x10];
	_ =	sdelay $0x7  }
0x2e: {  	[tilespmem:v2+s17+$0x0] =	vst.idx.add.f32.msk $0xffff, v1  }
0x2f: {  	v2 =	vld [tilespmem:$0x20];
	_ =	sdelay $0x7  }
0x30: {  	[tilespmem:v2+s17+$0x0] =	vst.idx.add.f32.msk $0xffff, v1  }
0x31: {  	v2 =	vld [tilespmem:$0x30];
	_ =	sdelay $0x7  }
0x32: {  	[tilespmem:v2+s17+$0x0] =	vst.idx.add.f32.msk $0xffff, v1  }
0x33: {  	v2 =	vld [tilespmem:$0x40];
	_ =	sdelay $0x7  }
0x34: {  	[tilespmem:v2+s17+$0x0] =	vst.idx.add.f32.msk $0xffff, v1  }
0x35: {  	v2 =	vld [tilespmem:$0x50];
	_ =	sdelay $0x7  }
0x36: {  	[tilespmem:v2+s17+$0x0] =	vst.idx.add.f32.msk $0xffff, v1  }
0x37: {  	v2 =	vld [tilespmem:$0x60];
	_ =	sdelay $0x7  }
0x38: {  	[tilespmem:v2+s17+$0x0] =	vst.idx.add.f32.msk $0xffff, v1  }
0x39: {  	v2 =	vld [tilespmem:$0x70];
	_ =	sdelay $0x7  }
0x3a: {  	[tilespmem:v2+s17+$0x0] =	vst.idx.add.f32.msk $0xffff, v1  }
0x3b: {  	v2 =	vld [tilespmem:$0x80];
	_ =	sdelay $0x7  }
0x3c: {  	[tilespmem:v2+s17+$0x0] =	vst.idx.add.f32.msk $0xffff, v1  }
0x3d: {  	v2 =	vld [tilespmem:$0x90];
	_ =	sdelay $0x7  }
0x3e: {  	[tilespmem:v2+s17+$0x0] =	vst.idx.add.f32.msk $0xffff, v1  }
0x3f: {  	v2 =	vld [tilespmem:$0xA0];
	_ =	sdelay $0x7  }
0x40: {  	[tilespmem:v2+s17+$0x0] =	vst.idx.add.f32.msk $0xffff, v1  }
0x41: {  	v2 =	vld [tilespmem:$0xB0];
	_ =	sdelay $0x7  }
0x42: {  	[tilespmem:v2+s17+$0x0] =	vst.idx.add.f32.msk $0xffff, v1  }
0x43: {  	v2 =	vld [tilespmem:$0xC0];
	_ =	sdelay $0x7  }
0x44: {  	[tilespmem:v2+s17+$0x0] =	vst.idx.add.f32.msk $0xffff, v1  }
0x45: {  	v2 =	vld [tilespmem:$0xD0];
	_ =	sdelay $0x7  }
0x46: {  	[tilespmem:v2+s17+$0x0] =	vst.idx.add.f32.msk $0xffff, v1  }
0x47: {  	v2 =	vld [tilespmem:$0xE0];
	_ =	sdelay $0x7  }
0x48: {  	[tilespmem:v2+s17+$0x0] =	vst.idx.add.f32.msk $0xffff, v1  }
0x49: {  	v2 =	vld [tilespmem:$0xF0];
	_ =	sdelay $0x7  }
0x4a: {  	[tilespmem:v2+s17+$0x0] =	vst.idx.add.f32.msk $0xffff, v1  }
0x4b: {  	v2 =	vld [tilespmem:$0x100];
	_ =	sdelay $0x7  }
0x4c: {  	[tilespmem:v2+s17+$0x0] =	vst.idx.add.f32.msk $0xffff, v1  }
0x4d: {  	v2 =	vld [tilespmem:$0x110];
	_ =	sdelay $0x7  }
0x4e: {  	[tilespmem:v2+s17+$0x0] =	vst.idx.add.f32.msk $0xffff, v1  }
0x4f: {  	v2 =	vld [tilespmem:$0x120];
	_ =	sdelay $0x7  }
0x50: {  	[tilespmem:v2+s17+$0x0] =	vst.idx.add.f32.msk $0xffff, v1  }
0x51: {  	v2 =	vld [tilespmem:$0x130];
	_ =	sdelay $0x7  }
0x52: {  	[tilespmem:v2+s17+$0x0] =	vst.idx.add.f32.msk $0xffff, v1  }
0x53: {  	v2 =	vld [tilespmem:$0x140];
	_ =	sdelay $0x7  }
0x54: {  	[tilespmem:v2+s17+$0x0] =	vst.idx.add.f32.msk $0xffff, v1  }
0x55: {  	v2 =	vld [tilespmem:$0x150];
	_ =	sdelay $0x7  }
0x56: {  	[tilespmem:v2+s17+$0x0] =	vst.idx.add.f32.msk $0xffff, v1  }
0x57: {  	v2 =	vld [tilespmem:$0x160];
	_ =	sdelay $0x7  }
0x58: {  	[tilespmem:v2+s17+$0x0] =	vst.idx.add.f32.msk $0xffff, v1  }
0x59: {  	v2 =	vld [tilespmem:$0x170];
	_ =	sdelay $0x7  }
0x5a: {  	[tilespmem:v2+s17+$0x0] =	vst.idx.add.f32.msk $0xffff, v1  }
0x5b: {  	v2 =	vld [tilespmem:$0x180];
	_ =	sdelay $0x7  }
0x5c: {  	[tilespmem:v2+s17+$0x0] =	vst.idx.add.f32.msk $0xffff, v1  }
0x5d: {  	v2 =	vld [tilespmem:$0x190];
	_ =	sdelay $0x7  }
0x5e: {  	[tilespmem:v2+s17+$0x0] =	vst.idx.add.f32.msk $0xffff, v1  }
0x5f: {  	v2 =	vld [tilespmem:$0x1A0];
	_ =	sdelay $0x7  }
0x60: {  	[tilespmem:v2+s17+$0x0] =	vst.idx.add.f32.msk $0xffff, v1  }
0x61: {  	v2 =	vld [tilespmem:$0x1B0];
	_ =	sdelay $0x7  }
0x62: {  	[tilespmem:v2+s17+$0x0] =	vst.idx.add.f32.msk $0xffff, v1  }
0x63: {  	v2 =	vld [tilespmem:$0x1C0];
	_ =	sdelay $0x7  }
0x64: {  	[tilespmem:v2+s17+$0x0] =	vst.idx.add.f32.msk $0xffff, v1  }
0x65: {  	v2 =	vld [tilespmem:$0x1D0];
	_ =	sdelay $0x7  }
0x66: {  	[tilespmem:v2+s17+$0x0] =	vst.idx.add.f32.msk $0xffff, v1  }
0x67: {  	v2 =	vld [tilespmem:$0x1E0];
	_ =	sdelay $0x7  }
0x68: {  	[tilespmem:v2+s17+$0x0] =	vst.idx.add.f32.msk $0xffff, v1  }
0x69: {  	v2 =	vld [tilespmem:$0x1F0];
	_ =	sdelay $0x5  }
0x6a: {  	s18 =	sadd.s32 $0x1, s18  }
0x6b: {  	p0 =	sne.s32 s18, s7  }
.Ltmp1:
0x6c: {  	[tilespmem:v2+s17+$0x0] =	vst.idx.add.f32.msk $0xffff, v1;
	(pc) =	sbr.rel @p0 .LBB2_1-.Ltmp1, $4  }
0x6d: {  	[hbm4b:s6+s2] =	stream.linear.scatter [tilespmem:s17], [sflag:$0x2], $0x2000, $0x38;
	[tilespmem:$0x6200] =	vst v63  }
0x6e: {  	_ =	swait.ge [sflag:s8], $0x2000  }
0x6f: {  	[sflag:s8] =	ssyncset.done $0x0  }
0x70: {  	[sflag:s8] =	ssyncadd.s32 $0xFFFFE000  }
0x71: {  	_ =	sfence.sel $0x180000  }
0x72: {  	[bflag:$0x0] =	sbarrier.arrive $0xFFFF  }
0x73: {  	p0 =	sne.s32 s1, $0x0;
	_ =	strace $0x90000047  }
0x74: {  	s0 =	sadd.s32 @!p0 $0x100000, s0;
	[bflag:$0x2] =	sbarrier.arrive $0xFFFF  }
0x75: {  	[sflag:s0] =	ssyncadd.tile.s32 @!p0 $0x1;
	_ =	shalt  }
.Lfunc_end2:
_tile_overlayer_lowered:
.L_overlay_start_2:
0x76: {  	(tag) =	ssettag $0x2  }
0x77: {  	s0 =	rddreg [dreg:$0x0];
	s2 =	stileid.u32  }
0x78: {  	s1 =	rddreg [dreg:$0x1];
	p0 =	sne.s32 s2, $0x0  }
0x79: {  	s3 =	rddreg [dreg:$0x2];
	[bflag:$0x3] =	sbarrier.arrive $0xFFFF;
	s2 =	simm.s32 @!p0 $0x1C02  }
0x7a: {  	[timem:s3], [sflag:s2] =	dma.local @!p0 [hbm:s0], s1  }
0x7b: {  	s0 =	simm.s32 @!p0 $0x2  }
0x7c: {  	_ =	swait.ge @!p0 [sflag:s0], s1  }
0x7d: {  	s1 =	ssub.s32 @!p0 $0x0, s1;
	[sflag:s0] =	ssyncset.done @!p0 $0x0  }
0x7e: {  	[sflag:s0] =	ssyncadd.s32 @!p0 s1  }
0x7f: {  	[bflag:$0x3] =	sbarrier.arrive $0xFFFF  }
0x80: {  	_ =	shalt  }

</sc_bundles>
